<compile_context>
chip_gen: v7x
topology: tpu7x:2x2x1
jax: 0.10.2.dev20260603
libtpu: 0.0.44.dev20260713+nightly
codegen_flags: <defaults>
</compile_context>

<pallas_src>
import functools
import math

import jax
import jax.numpy as jnp
import numpy as np
from jax import lax
from jax.experimental import pallas as pl
from jax.experimental.pallas import tpu as pltpu
from jax.experimental.pallas import tpu_sc as plsc

_VOCAB = 100000
_MASK = 99999
_GAMMA = 1.0
_P_UNIFORM = max(math.exp(-20.0), 0.0)
_LOG_B = max(
    _GAMMA * math.log(2.0) + math.log(_P_UNIFORM) - math.log(1.0 - _P_UNIFORM),
    -20.0,
)
_B_CONST = math.exp(_LOG_B)

_KEY_HI = np.uint32(0)
_KEY_LO = np.uint32(42)
_KS2 = np.uint32(int(_KEY_HI) ^ int(_KEY_LO) ^ 0x1BD11BDA)
_ROT_A = (13, 15, 26, 6)
_ROT_B = (17, 29, 16, 24)
_TINY = np.float32(np.finfo(np.float32).tiny)
_SPAN = np.float32(np.float32(1.0) - _TINY)

_NC, _NS, _L = 2, 16, 16


def _rotl(x, r):
    r = np.uint32(r)
    return (x << r) | (x >> np.uint32(32 - r))


def _threefry2x32(ctr_lo):
    ks = (_KEY_HI, _KEY_LO, _KS2)
    x0 = jnp.full_like(ctr_lo, ks[0])
    x1 = ctr_lo + ks[1]

    def rounds(x0, x1, rots):
        for r in rots:
            x0 = x0 + x1
            x1 = _rotl(x1, r)
            x1 = x0 ^ x1
        return x0, x1

    x0, x1 = rounds(x0, x1, _ROT_A)
    x0 = x0 + ks[1]
    x1 = x1 + ks[2] + np.uint32(1)
    x0, x1 = rounds(x0, x1, _ROT_B)
    x0 = x0 + ks[2]
    x1 = x1 + ks[0] + np.uint32(2)
    x0, x1 = rounds(x0, x1, _ROT_A)
    x0 = x0 + ks[0]
    x1 = x1 + ks[1] + np.uint32(3)
    x0, x1 = rounds(x0, x1, _ROT_B)
    x0 = x0 + ks[1]
    x1 = x1 + ks[2] + np.uint32(4)
    x0, x1 = rounds(x0, x1, _ROT_A)
    x0 = x0 + ks[2]
    x1 = x1 + ks[0] + np.uint32(5)
    return x0 ^ x1


@functools.partial(
    pl.kernel,
    out_type=jax.ShapeDtypeStruct((_NC * _NS * _L,), jnp.uint32),
    mesh=plsc.VectorSubcoreMesh(core_axis_name="c", subcore_axis_name="s"),
    scratch_types=[
        pltpu.VMEM((_L,), jnp.uint32),
        pltpu.VMEM((_L,), jnp.uint32),
    ],
)
def _sc_bits(ctr_hbm, out_hbm, ctr_v, bits_v):
    wid = lax.axis_index("s") * _NC + lax.axis_index("c")
    base = wid * _L
    pltpu.sync_copy(ctr_hbm.at[pl.ds(base, _L)], ctr_v)
    bits_v[...] = _threefry2x32(ctr_v[...])
    pltpu.sync_copy(bits_v, out_hbm.at[pl.ds(base, _L)])


def _gumbel_from_bits(bits):
    float_bits = (bits >> np.uint32(9)) | np.uint32(0x3F800000)
    floats = jax.lax.bitcast_convert_type(float_bits, jnp.float32) - jnp.float32(1.0)
    u = jnp.maximum(_TINY, floats * _SPAN + _TINY)
    return -jnp.log(-jnp.log(u))


def _decide_body(bits_ref, ids_ref, t_ref, z_ref):
    bits = bits_ref[...]
    ids = ids_ref[...]
    t = t_ref[...]

    g_tok = _gumbel_from_bits(bits[0:2, :])
    g_msk = _gumbel_from_bits(bits[2:4, :])

    one = jnp.float32(1.0)
    zero = jnp.float32(0.0)
    c_t = jnp.power(t, jnp.float32(0.5)) * jnp.power(one - t, jnp.float32(0.5)) * jnp.float32(_B_CONST)
    big_c = jnp.maximum(one + c_t, jnp.float32(1e-4))
    alpha = (one - t) / big_c
    unif = jnp.float32(np.float32(1.0) / np.float32(_VOCAB - 1))
    beta_tok = (t * zero + c_t * unif) / big_c
    beta_msk = (t * one + c_t * zero) / big_c

    is_mask_tok = ids == _MASK
    p_tok = jnp.where(is_mask_tok, one * alpha + beta_msk, one * alpha + beta_tok)
    p_msk = jnp.where(is_mask_tok, p_tok, zero * alpha + beta_msk)
    eps = jnp.float32(1e-12)
    s_tok = jnp.log(p_tok + eps) + g_tok
    s_msk = jnp.log(p_msk + eps) + g_msk

    z = jnp.where(is_mask_tok, _MASK, jnp.where(s_tok >= s_msk, ids, _MASK))
    z_ref[...] = z.astype(jnp.int32)


@functools.partial(jax.jit, static_argnames=("interpret",))
def kernel(input_ids, t, *, interpret=False):
    b, s = input_ids.shape
    n = b * s
    ids_flat = input_ids.astype(jnp.int32).reshape(n)
    rows = jnp.arange(n, dtype=jnp.int32)
    ctr = jnp.concatenate([rows * _VOCAB + ids_flat, rows * _VOCAB + _MASK])
    bits = _sc_bits(ctr.astype(jnp.uint32))

    ids2 = ids_flat.reshape(2, n // 2)
    t2 = jnp.broadcast_to(t.astype(jnp.float32)[:, None], (b, s)).reshape(2, n // 2)
    z = pl.pallas_call(
        _decide_body,
        out_shape=jax.ShapeDtypeStruct((2, n // 2), jnp.int32),
        interpret=interpret,
    )(bits.reshape(4, n // 2), ids2, t2)
    return z.reshape(b, s)

# --- scband reference (transcript-rebuilt; emitter-appended) ---
"""Pipeline reference for scband-hybrid-diffusion-69715909148720 (READ-ONLY COPY).

The authoritative reference and input builder live on the scoring server;
editing this copy changes nothing except your own understanding.
"""

import math
import jax, jax.numpy as jnp
import numpy as np

VOCAB = 100000
MASK_ID = 99999
GAMMA = 1.0
P_UNIFORM = max(math.exp(-20.0), 0.0)
LOG_B = max(GAMMA * math.log(2.0) + math.log(P_UNIFORM) - math.log(1.0 - P_UNIFORM), -20.0)
B_CONST = math.exp(LOG_B)


def _get_alpha_betapi(t, eps=1e-4):
    mask = jnp.zeros((VOCAB,), jnp.float32).at[MASK_ID].set(1.0)
    unif = (1.0 - mask) / max(VOCAB - 1, 1)
    tt = t[:, None]
    t1m = 1.0 - tt
    c_t = jnp.power(tt, GAMMA / 2.0) * jnp.power(t1m, GAMMA / 2.0) * B_CONST
    C_t = jnp.maximum(1.0 + c_t, eps)
    alpha_t = t1m / C_t
    beta_pi = (tt * mask[None, :] + c_t * unif[None, :]) / C_t
    return alpha_t, beta_pi


def _probs_at_t(prs, t, eps=1e-4):
    alpha_t, beta_pi = _get_alpha_betapi(t, eps)
    # prs: [B, S, V]; alpha_t: [B, 1] -> [B, 1, 1]; beta_pi: [B, V] -> [B, 1, V]
    probs = prs * alpha_t[:, :, None] + beta_pi[:, None, :]
    return probs


def setup_inputs(seed: int = 0):
    key = jax.random.key(seed)
    k1, k2 = jax.random.split(key)
    input_ids = jax.random.randint(k1, (16, 16), 0, VOCAB)
    t = jax.random.uniform(k2, (16,), dtype=jnp.float32)
    return {"input_ids": input_ids, "t": t}


def reference(input_ids, t):
    # sample_zt: one-hot -> probs_at_t -> gumbel categorical sample
    x = jax.nn.one_hot(input_ids, VOCAB, dtype=t.dtype)
    probs = _probs_at_t(x, t)
    key = jax.random.key(42)
    z_t = jax.random.categorical(key, jnp.log(probs + 1e-12), axis=-1)
    return z_t

if __name__ == "__main__":
    import jax
    _d = setup_inputs()
    print(jax.jit(kernel)(*tuple(_d.values())))

</pallas_src>

<mosaic_0001>
#map = affine_map<(d0, d1) -> (0)>
module attributes {stable_mosaic.version = 14 : i64} {
  func.func @_sc_bits(%arg0: i32, %arg1: i32, %arg2: memref<512xi32, #tpu.memory_space<hbm>>, %arg3: memref<512xi32, #tpu.memory_space<hbm>>, %arg4: memref<16xi32, #tpu.memory_space<vmem>>, %arg5: memref<16xi32, #tpu.memory_space<vmem>>) attributes {dimension_semantics = [#tpu.dimension_semantics<core_parallel>, #tpu.dimension_semantics<subcore_parallel>], iteration_bounds = array<i64: 2, 16>, scalar_prefetch = 0 : i64, scratch_operands = 2 : i64, tpu.core_type = #tpu.core_type<sc_vector_subcore>, window_params = [{transform_indices = #map}, {transform_indices = #map}]} {
    %mul3A = arith.constant 2 : i32
    %mul3A_0 = arith.muli %arg1, %mul3A : i32
    %add3A = arith.addi %mul3A_0, %arg0 : i32
    %mul3A_1 = arith.constant 16 : i32
    %mul3A_2 = arith.muli %add3A, %mul3A_1 : i32
    "tpu.region"() ({
      %run_scoped3A = tpu.sem_alloc : memref<!tpu.dma_semaphore, #tpu.memory_space<semaphore_mem>>
      %dma_start3A = tpu.memref_slice %arg2[%mul3A_2] : memref<512xi32, #tpu.memory_space<hbm>> -> memref<16xi32, #tpu.memory_space<hbm>>
      %dma_start3A_234 = tpu.memref_slice %arg2[%mul3A_2] : memref<512xi32, #tpu.memory_space<hbm>> -> memref<16xi32, #tpu.memory_space<hbm>>
      tpu.enqueue_dma source(%dma_start3A_234 : memref<16xi32, #tpu.memory_space<hbm>>) target(%arg4 : memref<16xi32, #tpu.memory_space<vmem>>) target_semaphore(%run_scoped3A : memref<!tpu.dma_semaphore, #tpu.memory_space<semaphore_mem>>)
      %dma_wait3A = tpu.memref_slice %arg2[%mul3A_2] : memref<512xi32, #tpu.memory_space<hbm>> -> memref<16xi32, #tpu.memory_space<hbm>>
      %dma_wait3A_235 = tpu.memref_slice %arg2[%mul3A_2] : memref<512xi32, #tpu.memory_space<hbm>> -> memref<16xi32, #tpu.memory_space<hbm>>
      tpu.wait_dma2 semaphore(%run_scoped3A : memref<!tpu.dma_semaphore, #tpu.memory_space<semaphore_mem>>) src(%dma_wait3A_235 : memref<16xi32, #tpu.memory_space<hbm>>) dst(%arg4 : memref<16xi32, #tpu.memory_space<vmem>>)
      tpu.yield
    }) : () -> ()
    %get3A = arith.constant 0 : index
    %get3A_3 = tpu.vector_load %arg4[%get3A] {strides = array<i32>} : memref<16xi32, #tpu.memory_space<vmem>>, vector<16xi32>,
    %get3A_4 = vector.shape_cast %get3A_3 : vector<16xi32> to vector<16xi32>
    %broadcast_in_dim3A = arith.constant 0 : i32
    %broadcast_in_dim3A_5 = vector.broadcast %broadcast_in_dim3A : i32 to vector<16xi32>
    %add3A_6 = arith.constant 42 : i32
    %add3A_7 = vector.broadcast %add3A_6 : i32 to vector<16xi32>
    %add3A_8 = arith.addi %get3A_4, %add3A_7 : vector<16xi32>
    %add3A_9 = arith.addi %broadcast_in_dim3A_5, %add3A_8 : vector<16xi32>
    %shift_left3A = arith.constant 13 : i32
    %shift_left3A_10 = vector.broadcast %shift_left3A : i32 to vector<16xi32>
    %shift_left3A_11 = arith.shli %add3A_8, %shift_left3A_10 : vector<16xi32>
    %shift_right_logical3A = arith.constant 19 : i32
    %shift_right_logical3A_12 = vector.broadcast %shift_right_logical3A : i32 to vector<16xi32>
    %shift_right_logical3A_13 = arith.shrui %add3A_8, %shift_right_logical3A_12 : vector<16xi32>
    %or3A = arith.ori %shift_left3A_11, %shift_right_logical3A_13 : vector<16xi32>
    %xor3A = arith.xori %add3A_9, %or3A : vector<16xi32>
    %add3A_14 = arith.addi %add3A_9, %xor3A : vector<16xi32>
    %shift_left3A_15 = arith.constant 15 : i32
    %shift_left3A_16 = vector.broadcast %shift_left3A_15 : i32 to vector<16xi32>
    %shift_left3A_17 = arith.shli %xor3A, %shift_left3A_16 : vector<16xi32>
    %shift_right_logical3A_18 = arith.constant 17 : i32
    %shift_right_logical3A_19 = vector.broadcast %shift_right_logical3A_18 : i32 to vector<16xi32>
    %shift_right_logical3A_20 = arith.shrui %xor3A, %shift_right_logical3A_19 : vector<16xi32>
    %or3A_21 = arith.ori %shift_left3A_17, %shift_right_logical3A_20 : vector<16xi32>
    %xor3A_22 = arith.xori %add3A_14, %or3A_21 : vector<16xi32>
    %add3A_23 = arith.addi %add3A_14, %xor3A_22 : vector<16xi32>
    %shift_left3A_24 = arith.constant 26 : i32
    %shift_left3A_25 = vector.broadcast %shift_left3A_24 : i32 to vector<16xi32>
    %shift_left3A_26 = arith.shli %xor3A_22, %shift_left3A_25 : vector<16xi32>
    %shift_right_logical3A_27 = arith.constant 6 : i32
    %shift_right_logical3A_28 = vector.broadcast %shift_right_logical3A_27 : i32 to vector<16xi32>
    %shift_right_logical3A_29 = arith.shrui %xor3A_22, %shift_right_logical3A_28 : vector<16xi32>
    %or3A_30 = arith.ori %shift_left3A_26, %shift_right_logical3A_29 : vector<16xi32>
    %xor3A_31 = arith.xori %add3A_23, %or3A_30 : vector<16xi32>
    %add3A_32 = arith.addi %add3A_23, %xor3A_31 : vector<16xi32>
    %shift_left3A_33 = arith.constant 6 : i32
    %shift_left3A_34 = vector.broadcast %shift_left3A_33 : i32 to vector<16xi32>
    %shift_left3A_35 = arith.shli %xor3A_31, %shift_left3A_34 : vector<16xi32>
    %shift_right_logical3A_36 = arith.constant 26 : i32
    %shift_right_logical3A_37 = vector.broadcast %shift_right_logical3A_36 : i32 to vector<16xi32>
    %shift_right_logical3A_38 = arith.shrui %xor3A_31, %shift_right_logical3A_37 : vector<16xi32>
    %or3A_39 = arith.ori %shift_left3A_35, %shift_right_logical3A_38 : vector<16xi32>
    %xor3A_40 = arith.xori %add3A_32, %or3A_39 : vector<16xi32>
    %add3A_41 = arith.constant 42 : i32
    %add3A_42 = vector.broadcast %add3A_41 : i32 to vector<16xi32>
    %add3A_43 = arith.addi %add3A_32, %add3A_42 : vector<16xi32>
    %add3A_44 = arith.constant 466689008 : i32
    %add3A_45 = vector.broadcast %add3A_44 : i32 to vector<16xi32>
    %add3A_46 = arith.addi %xor3A_40, %add3A_45 : vector<16xi32>
    %add3A_47 = arith.constant 1 : i32
    %add3A_48 = vector.broadcast %add3A_47 : i32 to vector<16xi32>
    %add3A_49 = arith.addi %add3A_46, %add3A_48 : vector<16xi32>
    %add3A_50 = arith.addi %add3A_43, %add3A_49 : vector<16xi32>
    %shift_left3A_51 = arith.constant 17 : i32
    %shift_left3A_52 = vector.broadcast %shift_left3A_51 : i32 to vector<16xi32>
    %shift_left3A_53 = arith.shli %add3A_49, %shift_left3A_52 : vector<16xi32>
    %shift_right_logical3A_54 = arith.constant 15 : i32
    %shift_right_logical3A_55 = vector.broadcast %shift_right_logical3A_54 : i32 to vector<16xi32>
    %shift_right_logical3A_56 = arith.shrui %add3A_49, %shift_right_logical3A_55 : vector<16xi32>
    %or3A_57 = arith.ori %shift_left3A_53, %shift_right_logical3A_56 : vector<16xi32>
    %xor3A_58 = arith.xori %add3A_50, %or3A_57 : vector<16xi32>
    %add3A_59 = arith.addi %add3A_50, %xor3A_58 : vector<16xi32>
    %shift_left3A_60 = arith.constant 29 : i32
    %shift_left3A_61 = vector.broadcast %shift_left3A_60 : i32 to vector<16xi32>
    %shift_left3A_62 = arith.shli %xor3A_58, %shift_left3A_61 : vector<16xi32>
    %shift_right_logical3A_63 = arith.constant 3 : i32
    %shift_right_logical3A_64 = vector.broadcast %shift_right_logical3A_63 : i32 to vector<16xi32>
    %shift_right_logical3A_65 = arith.shrui %xor3A_58, %shift_right_logical3A_64 : vector<16xi32>
    %or3A_66 = arith.ori %shift_left3A_62, %shift_right_logical3A_65 : vector<16xi32>
    %xor3A_67 = arith.xori %add3A_59, %or3A_66 : vector<16xi32>
    %add3A_68 = arith.addi %add3A_59, %xor3A_67 : vector<16xi32>
    %shift_left3A_69 = arith.constant 16 : i32
    %shift_left3A_70 = vector.broadcast %shift_left3A_69 : i32 to vector<16xi32>
    %shift_left3A_71 = arith.shli %xor3A_67, %shift_left3A_70 : vector<16xi32>
    %shift_right_logical3A_72 = arith.constant 16 : i32
    %shift_right_logical3A_73 = vector.broadcast %shift_right_logical3A_72 : i32 to vector<16xi32>
    %shift_right_logical3A_74 = arith.shrui %xor3A_67, %shift_right_logical3A_73 : vector<16xi32>
    %or3A_75 = arith.ori %shift_left3A_71, %shift_right_logical3A_74 : vector<16xi32>
    %xor3A_76 = arith.xori %add3A_68, %or3A_75 : vector<16xi32>
    %add3A_77 = arith.addi %add3A_68, %xor3A_76 : vector<16xi32>
    %shift_left3A_78 = arith.constant 24 : i32
    %shift_left3A_79 = vector.broadcast %shift_left3A_78 : i32 to vector<16xi32>
    %shift_left3A_80 = arith.shli %xor3A_76, %shift_left3A_79 : vector<16xi32>
    %shift_right_logical3A_81 = arith.constant 8 : i32
    %shift_right_logical3A_82 = vector.broadcast %shift_right_logical3A_81 : i32 to vector<16xi32>
    %shift_right_logical3A_83 = arith.shrui %xor3A_76, %shift_right_logical3A_82 : vector<16xi32>
    %or3A_84 = arith.ori %shift_left3A_80, %shift_right_logical3A_83 : vector<16xi32>
    %xor3A_85 = arith.xori %add3A_77, %or3A_84 : vector<16xi32>
    %add3A_86 = arith.constant 466689008 : i32
    %add3A_87 = vector.broadcast %add3A_86 : i32 to vector<16xi32>
    %add3A_88 = arith.addi %add3A_77, %add3A_87 : vector<16xi32>
    %add3A_89 = arith.constant 0 : i32
    %add3A_90 = vector.broadcast %add3A_89 : i32 to vector<16xi32>
    %add3A_91 = arith.addi %xor3A_85, %add3A_90 : vector<16xi32>
    %add3A_92 = arith.constant 2 : i32
    %add3A_93 = vector.broadcast %add3A_92 : i32 to vector<16xi32>
    %add3A_94 = arith.addi %add3A_91, %add3A_93 : vector<16xi32>
    %add3A_95 = arith.addi %add3A_88, %add3A_94 : vector<16xi32>
    %shift_left3A_96 = arith.constant 13 : i32
    %shift_left3A_97 = vector.broadcast %shift_left3A_96 : i32 to vector<16xi32>
    %shift_left3A_98 = arith.shli %add3A_94, %shift_left3A_97 : vector<16xi32>
    %shift_right_logical3A_99 = arith.constant 19 : i32
    %shift_right_logical3A_100 = vector.broadcast %shift_right_logical3A_99 : i32 to vector<16xi32>
    %shift_right_logical3A_101 = arith.shrui %add3A_94, %shift_right_logical3A_100 : vector<16xi32>
    %or3A_102 = arith.ori %shift_left3A_98, %shift_right_logical3A_101 : vector<16xi32>
    %xor3A_103 = arith.xori %add3A_95, %or3A_102 : vector<16xi32>
    %add3A_104 = arith.addi %add3A_95, %xor3A_103 : vector<16xi32>
    %shift_left3A_105 = arith.constant 15 : i32
    %shift_left3A_106 = vector.broadcast %shift_left3A_105 : i32 to vector<16xi32>
    %shift_left3A_107 = arith.shli %xor3A_103, %shift_left3A_106 : vector<16xi32>
    %shift_right_logical3A_108 = arith.constant 17 : i32
    %shift_right_logical3A_109 = vector.broadcast %shift_right_logical3A_108 : i32 to vector<16xi32>
    %shift_right_logical3A_110 = arith.shrui %xor3A_103, %shift_right_logical3A_109 : vector<16xi32>
    %or3A_111 = arith.ori %shift_left3A_107, %shift_right_logical3A_110 : vector<16xi32>
    %xor3A_112 = arith.xori %add3A_104, %or3A_111 : vector<16xi32>
    %add3A_113 = arith.addi %add3A_104, %xor3A_112 : vector<16xi32>
    %shift_left3A_114 = arith.constant 26 : i32
    %shift_left3A_115 = vector.broadcast %shift_left3A_114 : i32 to vector<16xi32>
    %shift_left3A_116 = arith.shli %xor3A_112, %shift_left3A_115 : vector<16xi32>
    %shift_right_logical3A_117 = arith.constant 6 : i32
    %shift_right_logical3A_118 = vector.broadcast %shift_right_logical3A_117 : i32 to vector<16xi32>
    %shift_right_logical3A_119 = arith.shrui %xor3A_112, %shift_right_logical3A_118 : vector<16xi32>
    %or3A_120 = arith.ori %shift_left3A_116, %shift_right_logical3A_119 : vector<16xi32>
    %xor3A_121 = arith.xori %add3A_113, %or3A_120 : vector<16xi32>
    %add3A_122 = arith.addi %add3A_113, %xor3A_121 : vector<16xi32>
    %shift_left3A_123 = arith.constant 6 : i32
    %shift_left3A_124 = vector.broadcast %shift_left3A_123 : i32 to vector<16xi32>
    %shift_left3A_125 = arith.shli %xor3A_121, %shift_left3A_124 : vector<16xi32>
    %shift_right_logical3A_126 = arith.constant 26 : i32
    %shift_right_logical3A_127 = vector.broadcast %shift_right_logical3A_126 : i32 to vector<16xi32>
    %shift_right_logical3A_128 = arith.shrui %xor3A_121, %shift_right_logical3A_127 : vector<16xi32>
    %or3A_129 = arith.ori %shift_left3A_125, %shift_right_logical3A_128 : vector<16xi32>
    %xor3A_130 = arith.xori %add3A_122, %or3A_129 : vector<16xi32>
    %add3A_131 = arith.constant 0 : i32
    %add3A_132 = vector.broadcast %add3A_131 : i32 to vector<16xi32>
    %add3A_133 = arith.addi %add3A_122, %add3A_132 : vector<16xi32>
    %add3A_134 = arith.constant 42 : i32
    %add3A_135 = vector.broadcast %add3A_134 : i32 to vector<16xi32>
    %add3A_136 = arith.addi %xor3A_130, %add3A_135 : vector<16xi32>
    %add3A_137 = arith.constant 3 : i32
    %add3A_138 = vector.broadcast %add3A_137 : i32 to vector<16xi32>
    %add3A_139 = arith.addi %add3A_136, %add3A_138 : vector<16xi32>
    %add3A_140 = arith.addi %add3A_133, %add3A_139 : vector<16xi32>
    %shift_left3A_141 = arith.constant 17 : i32
    %shift_left3A_142 = vector.broadcast %shift_left3A_141 : i32 to vector<16xi32>
    %shift_left3A_143 = arith.shli %add3A_139, %shift_left3A_142 : vector<16xi32>
    %shift_right_logical3A_144 = arith.constant 15 : i32
    %shift_right_logical3A_145 = vector.broadcast %shift_right_logical3A_144 : i32 to vector<16xi32>
    %shift_right_logical3A_146 = arith.shrui %add3A_139, %shift_right_logical3A_145 : vector<16xi32>
    %or3A_147 = arith.ori %shift_left3A_143, %shift_right_logical3A_146 : vector<16xi32>
    %xor3A_148 = arith.xori %add3A_140, %or3A_147 : vector<16xi32>
    %add3A_149 = arith.addi %add3A_140, %xor3A_148 : vector<16xi32>
    %shift_left3A_150 = arith.constant 29 : i32
    %shift_left3A_151 = vector.broadcast %shift_left3A_150 : i32 to vector<16xi32>
    %shift_left3A_152 = arith.shli %xor3A_148, %shift_left3A_151 : vector<16xi32>
    %shift_right_logical3A_153 = arith.constant 3 : i32
    %shift_right_logical3A_154 = vector.broadcast %shift_right_logical3A_153 : i32 to vector<16xi32>
    %shift_right_logical3A_155 = arith.shrui %xor3A_148, %shift_right_logical3A_154 : vector<16xi32>
    %or3A_156 = arith.ori %shift_left3A_152, %shift_right_logical3A_155 : vector<16xi32>
    %xor3A_157 = arith.xori %add3A_149, %or3A_156 : vector<16xi32>
    %add3A_158 = arith.addi %add3A_149, %xor3A_157 : vector<16xi32>
    %shift_left3A_159 = arith.constant 16 : i32
    %shift_left3A_160 = vector.broadcast %shift_left3A_159 : i32 to vector<16xi32>
    %shift_left3A_161 = arith.shli %xor3A_157, %shift_left3A_160 : vector<16xi32>
    %shift_right_logical3A_162 = arith.constant 16 : i32
    %shift_right_logical3A_163 = vector.broadcast %shift_right_logical3A_162 : i32 to vector<16xi32>
    %shift_right_logical3A_164 = arith.shrui %xor3A_157, %shift_right_logical3A_163 : vector<16xi32>
    %or3A_165 = arith.ori %shift_left3A_161, %shift_right_logical3A_164 : vector<16xi32>
    %xor3A_166 = arith.xori %add3A_158, %or3A_165 : vector<16xi32>
    %add3A_167 = arith.addi %add3A_158, %xor3A_166 : vector<16xi32>
    %shift_left3A_168 = arith.constant 24 : i32
    %shift_left3A_169 = vector.broadcast %shift_left3A_168 : i32 to vector<16xi32>
    %shift_left3A_170 = arith.shli %xor3A_166, %shift_left3A_169 : vector<16xi32>
    %shift_right_logical3A_171 = arith.constant 8 : i32
    %shift_right_logical3A_172 = vector.broadcast %shift_right_logical3A_171 : i32 to vector<16xi32>
    %shift_right_logical3A_173 = arith.shrui %xor3A_166, %shift_right_logical3A_172 : vector<16xi32>
    %or3A_174 = arith.ori %shift_left3A_170, %shift_right_logical3A_173 : vector<16xi32>
    %xor3A_175 = arith.xori %add3A_167, %or3A_174 : vector<16xi32>
    %add3A_176 = arith.constant 42 : i32
    %add3A_177 = vector.broadcast %add3A_176 : i32 to vector<16xi32>
    %add3A_178 = arith.addi %add3A_167, %add3A_177 : vector<16xi32>
    %add3A_179 = arith.constant 466689008 : i32
    %add3A_180 = vector.broadcast %add3A_179 : i32 to vector<16xi32>
    %add3A_181 = arith.addi %xor3A_175, %add3A_180 : vector<16xi32>
    %add3A_182 = arith.constant 4 : i32
    %add3A_183 = vector.broadcast %add3A_182 : i32 to vector<16xi32>
    %add3A_184 = arith.addi %add3A_181, %add3A_183 : vector<16xi32>
    %add3A_185 = arith.addi %add3A_178, %add3A_184 : vector<16xi32>
    %shift_left3A_186 = arith.constant 13 : i32
    %shift_left3A_187 = vector.broadcast %shift_left3A_186 : i32 to vector<16xi32>
    %shift_left3A_188 = arith.shli %add3A_184, %shift_left3A_187 : vector<16xi32>
    %shift_right_logical3A_189 = arith.constant 19 : i32
    %shift_right_logical3A_190 = vector.broadcast %shift_right_logical3A_189 : i32 to vector<16xi32>
    %shift_right_logical3A_191 = arith.shrui %add3A_184, %shift_right_logical3A_190 : vector<16xi32>
    %or3A_192 = arith.ori %shift_left3A_188, %shift_right_logical3A_191 : vector<16xi32>
    %xor3A_193 = arith.xori %add3A_185, %or3A_192 : vector<16xi32>
    %add3A_194 = arith.addi %add3A_185, %xor3A_193 : vector<16xi32>
    %shift_left3A_195 = arith.constant 15 : i32
    %shift_left3A_196 = vector.broadcast %shift_left3A_195 : i32 to vector<16xi32>
    %shift_left3A_197 = arith.shli %xor3A_193, %shift_left3A_196 : vector<16xi32>
    %shift_right_logical3A_198 = arith.constant 17 : i32
    %shift_right_logical3A_199 = vector.broadcast %shift_right_logical3A_198 : i32 to vector<16xi32>
    %shift_right_logical3A_200 = arith.shrui %xor3A_193, %shift_right_logical3A_199 : vector<16xi32>
    %or3A_201 = arith.ori %shift_left3A_197, %shift_right_logical3A_200 : vector<16xi32>
    %xor3A_202 = arith.xori %add3A_194, %or3A_201 : vector<16xi32>
    %add3A_203 = arith.addi %add3A_194, %xor3A_202 : vector<16xi32>
    %shift_left3A_204 = arith.constant 26 : i32
    %shift_left3A_205 = vector.broadcast %shift_left3A_204 : i32 to vector<16xi32>
    %shift_left3A_206 = arith.shli %xor3A_202, %shift_left3A_205 : vector<16xi32>
    %shift_right_logical3A_207 = arith.constant 6 : i32
    %shift_right_logical3A_208 = vector.broadcast %shift_right_logical3A_207 : i32 to vector<16xi32>
    %shift_right_logical3A_209 = arith.shrui %xor3A_202, %shift_right_logical3A_208 : vector<16xi32>
    %or3A_210 = arith.ori %shift_left3A_206, %shift_right_logical3A_209 : vector<16xi32>
    %xor3A_211 = arith.xori %add3A_203, %or3A_210 : vector<16xi32>
    %add3A_212 = arith.addi %add3A_203, %xor3A_211 : vector<16xi32>
    %shift_left3A_213 = arith.constant 6 : i32
    %shift_left3A_214 = vector.broadcast %shift_left3A_213 : i32 to vector<16xi32>
    %shift_left3A_215 = arith.shli %xor3A_211, %shift_left3A_214 : vector<16xi32>
    %shift_right_logical3A_216 = arith.constant 26 : i32
    %shift_right_logical3A_217 = vector.broadcast %shift_right_logical3A_216 : i32 to vector<16xi32>
    %shift_right_logical3A_218 = arith.shrui %xor3A_211, %shift_right_logical3A_217 : vector<16xi32>
    %or3A_219 = arith.ori %shift_left3A_215, %shift_right_logical3A_218 : vector<16xi32>
    %xor3A_220 = arith.xori %add3A_212, %or3A_219 : vector<16xi32>
    %add3A_221 = arith.constant 466689008 : i32
    %add3A_222 = vector.broadcast %add3A_221 : i32 to vector<16xi32>
    %add3A_223 = arith.addi %add3A_212, %add3A_222 : vector<16xi32>
    %add3A_224 = arith.constant 0 : i32
    %add3A_225 = vector.broadcast %add3A_224 : i32 to vector<16xi32>
    %add3A_226 = arith.addi %xor3A_220, %add3A_225 : vector<16xi32>
    %add3A_227 = arith.constant 5 : i32
    %add3A_228 = vector.broadcast %add3A_227 : i32 to vector<16xi32>
    %add3A_229 = arith.addi %add3A_226, %add3A_228 : vector<16xi32>
    %xor3A_230 = arith.xori %add3A_223, %add3A_229 : vector<16xi32>
    %swap3A = arith.constant 0 : index
    %swap3A_231 = tpu.vector_load %arg5[%swap3A] {strides = array<i32>} : memref<16xi32, #tpu.memory_space<vmem>>, vector<16xi32>,
    %swap3A_232 = vector.shape_cast %swap3A_231 : vector<16xi32> to vector<16xi32>
    %swap3A_233 = vector.shape_cast %xor3A_230 : vector<16xi32> to vector<16xi32>
    tpu.vector_store %arg5[%swap3A], %swap3A_233 {strides = array<i32>} : memref<16xi32, #tpu.memory_space<vmem>>, vector<16xi32>,
    "tpu.region"() ({
      %run_scoped3A = tpu.sem_alloc : memref<!tpu.dma_semaphore, #tpu.memory_space<semaphore_mem>>
      %dma_start3A = tpu.memref_slice %arg3[%mul3A_2] : memref<512xi32, #tpu.memory_space<hbm>> -> memref<16xi32, #tpu.memory_space<hbm>>
      %dma_start3A_234 = tpu.memref_slice %arg3[%mul3A_2] : memref<512xi32, #tpu.memory_space<hbm>> -> memref<16xi32, #tpu.memory_space<hbm>>
      tpu.enqueue_dma source(%arg5 : memref<16xi32, #tpu.memory_space<vmem>>) target(%dma_start3A_234 : memref<16xi32, #tpu.memory_space<hbm>>) target_semaphore(%run_scoped3A : memref<!tpu.dma_semaphore, #tpu.memory_space<semaphore_mem>>)
      %dma_wait3A = tpu.memref_slice %arg3[%mul3A_2] : memref<512xi32, #tpu.memory_space<hbm>> -> memref<16xi32, #tpu.memory_space<hbm>>
      %dma_wait3A_235 = tpu.memref_slice %arg3[%mul3A_2] : memref<512xi32, #tpu.memory_space<hbm>> -> memref<16xi32, #tpu.memory_space<hbm>>
      tpu.wait_dma2 semaphore(%run_scoped3A : memref<!tpu.dma_semaphore, #tpu.memory_space<semaphore_mem>>) src(%arg5 : memref<16xi32, #tpu.memory_space<vmem>>) dst(%dma_wait3A_235 : memref<16xi32, #tpu.memory_space<hbm>>)
      tpu.yield
    }) : () -> ()
    return
  }
}

module attributes {stable_mosaic.version = 14 : i64} {
  func.func @_decide_body(%arg0: memref<4x128xi32, #tpu.memory_space<vmem>>, %arg1: memref<2x128xi32, #tpu.memory_space<vmem>>, %arg2: memref<2x128xf32, #tpu.memory_space<vmem>>, %arg3: memref<2x128xi32, #tpu.memory_space<vmem>>) attributes {dimension_semantics = [], scalar_prefetch = 0 : i64, scratch_operands = 0 : i64, tpu.core_type = #tpu.core_type<tc>} {
    %get3A = arith.constant 0 : index
    %get3A_0 = arith.constant 0 : index
    %get3A_1 = vector.load %arg0[%get3A, %get3A_0] : memref<4x128xi32, #tpu.memory_space<vmem>>, vector<4x128xi32>
    %get3A_2 = arith.constant 0 : index
    %get3A_3 = arith.constant 0 : index
    %get3A_4 = vector.load %arg1[%get3A_2, %get3A_3] : memref<2x128xi32, #tpu.memory_space<vmem>>, vector<2x128xi32>
    %get3A_5 = arith.constant 0 : index
    %get3A_6 = arith.constant 0 : index
    %get3A_7 = vector.load %arg2[%get3A_5, %get3A_6] : memref<2x128xf32, #tpu.memory_space<vmem>>, vector<2x128xf32>
    %slice3A = vector.extract_strided_slice %get3A_1 {offsets = [0, 0], sizes = [2, 128], strides = [1, 1]} : vector<4x128xi32> to vector<2x128xi32>
    %shift_right_logical3A = arith.constant 9 : i32
    %shift_right_logical3A_8 = vector.broadcast %shift_right_logical3A : i32 to vector<2x128xi32>
    %shift_right_logical3A_9 = arith.shrui %slice3A, %shift_right_logical3A_8 : vector<2x128xi32>
    %or3A = arith.constant 1065353216 : i32
    %or3A_10 = vector.broadcast %or3A : i32 to vector<2x128xi32>
    %or3A_11 = arith.ori %shift_right_logical3A_9, %or3A_10 : vector<2x128xi32>
    %bitcast_convert_type3A = tpu.bitcast %or3A_11 : vector<2x128xi32> -> vector<2x128xf32>
    %sub3A = arith.constant 1.000000e+00 : f32
    %sub3A_12 = vector.broadcast %sub3A : f32 to vector<2x128xf32>
    %sub3A_13 = arith.subf %bitcast_convert_type3A, %sub3A_12 : vector<2x128xf32>
    %mul3A = arith.constant 1.000000e+00 : f32
    %mul3A_14 = vector.broadcast %mul3A : f32 to vector<2x128xf32>
    %mul3A_15 = arith.mulf %sub3A_13, %mul3A_14 : vector<2x128xf32>
    %add3A = arith.constant 1.17549435E-38 : f32
    %add3A_16 = vector.broadcast %add3A : f32 to vector<2x128xf32>
    %add3A_17 = arith.addf %mul3A_15, %add3A_16 : vector<2x128xf32>
    %max3A = arith.constant 1.17549435E-38 : f32
    %max3A_18 = vector.broadcast %max3A : f32 to vector<2x128xf32>
    %max3A_19 = arith.maximumf %max3A_18, %add3A_17 : vector<2x128xf32>
    %log3A = math.log %max3A_19 : vector<2x128xf32>
    %neg3A = arith.constant 0.000000e+00 : f32
    %neg3A_20 = vector.broadcast %neg3A : f32 to vector<2x128xf32>
    %neg3A_21 = arith.subf %neg3A_20, %log3A : vector<2x128xf32>
    %log3A_22 = math.log %neg3A_21 : vector<2x128xf32>
    %neg3A_23 = arith.constant 0.000000e+00 : f32
    %neg3A_24 = vector.broadcast %neg3A_23 : f32 to vector<2x128xf32>
    %neg3A_25 = arith.subf %neg3A_24, %log3A_22 : vector<2x128xf32>
    %slice3A_26 = vector.extract_strided_slice %get3A_1 {offsets = [2, 0], sizes = [2, 128], strides = [1, 1]} : vector<4x128xi32> to vector<2x128xi32>
    %shift_right_logical3A_27 = arith.constant 9 : i32
    %shift_right_logical3A_28 = vector.broadcast %shift_right_logical3A_27 : i32 to vector<2x128xi32>
    %shift_right_logical3A_29 = arith.shrui %slice3A_26, %shift_right_logical3A_28 : vector<2x128xi32>
    %or3A_30 = arith.constant 1065353216 : i32
    %or3A_31 = vector.broadcast %or3A_30 : i32 to vector<2x128xi32>
    %or3A_32 = arith.ori %shift_right_logical3A_29, %or3A_31 : vector<2x128xi32>
    %bitcast_convert_type3A_33 = tpu.bitcast %or3A_32 : vector<2x128xi32> -> vector<2x128xf32>
    %sub3A_34 = arith.constant 1.000000e+00 : f32
    %sub3A_35 = vector.broadcast %sub3A_34 : f32 to vector<2x128xf32>
    %sub3A_36 = arith.subf %bitcast_convert_type3A_33, %sub3A_35 : vector<2x128xf32>
    %mul3A_37 = arith.constant 1.000000e+00 : f32
    %mul3A_38 = vector.broadcast %mul3A_37 : f32 to vector<2x128xf32>
    %mul3A_39 = arith.mulf %sub3A_36, %mul3A_38 : vector<2x128xf32>
    %add3A_40 = arith.constant 1.17549435E-38 : f32
    %add3A_41 = vector.broadcast %add3A_40 : f32 to vector<2x128xf32>
    %add3A_42 = arith.addf %mul3A_39, %add3A_41 : vector<2x128xf32>
    %max3A_43 = arith.constant 1.17549435E-38 : f32
    %max3A_44 = vector.broadcast %max3A_43 : f32 to vector<2x128xf32>
    %max3A_45 = arith.maximumf %max3A_44, %add3A_42 : vector<2x128xf32>
    %log3A_46 = math.log %max3A_45 : vector<2x128xf32>
    %neg3A_47 = arith.constant 0.000000e+00 : f32
    %neg3A_48 = vector.broadcast %neg3A_47 : f32 to vector<2x128xf32>
    %neg3A_49 = arith.subf %neg3A_48, %log3A_46 : vector<2x128xf32>
    %log3A_50 = math.log %neg3A_49 : vector<2x128xf32>
    %neg3A_51 = arith.constant 0.000000e+00 : f32
    %neg3A_52 = vector.broadcast %neg3A_51 : f32 to vector<2x128xf32>
    %neg3A_53 = arith.subf %neg3A_52, %log3A_50 : vector<2x128xf32>
    %pow3A = arith.constant 5.000000e-01 : f32
    %pow3A_54 = vector.broadcast %pow3A : f32 to vector<2x128xf32>
    %pow3A_55 = math.powf %get3A_7, %pow3A_54 : vector<2x128xf32>
    %sub3A_56 = arith.constant 1.000000e+00 : f32
    %sub3A_57 = vector.broadcast %sub3A_56 : f32 to vector<2x128xf32>
    %sub3A_58 = arith.subf %sub3A_57, %get3A_7 : vector<2x128xf32>
    %pow3A_59 = arith.constant 5.000000e-01 : f32
    %pow3A_60 = vector.broadcast %pow3A_59 : f32 to vector<2x128xf32>
    %pow3A_61 = math.powf %sub3A_58, %pow3A_60 : vector<2x128xf32>
    %mul3A_62 = arith.mulf %pow3A_55, %pow3A_61 : vector<2x128xf32>
    %mul3A_63 = arith.constant 4.12230738E-9 : f32
    %mul3A_64 = vector.broadcast %mul3A_63 : f32 to vector<2x128xf32>
    %mul3A_65 = arith.mulf %mul3A_62, %mul3A_64 : vector<2x128xf32>
    %add3A_66 = arith.constant 1.000000e+00 : f32
    %add3A_67 = vector.broadcast %add3A_66 : f32 to vector<2x128xf32>
    %add3A_68 = arith.addf %add3A_67, %mul3A_65 : vector<2x128xf32>
    %max3A_69 = arith.constant 9.99999974E-5 : f32
    %max3A_70 = vector.broadcast %max3A_69 : f32 to vector<2x128xf32>
    %max3A_71 = arith.maximumf %add3A_68, %max3A_70 : vector<2x128xf32>
    %sub3A_72 = arith.constant 1.000000e+00 : f32
    %sub3A_73 = vector.broadcast %sub3A_72 : f32 to vector<2x128xf32>
    %sub3A_74 = arith.subf %sub3A_73, %get3A_7 : vector<2x128xf32>
    %div3A = arith.divf %sub3A_74, %max3A_71 : vector<2x128xf32>
    %mul3A_75 = arith.constant 0.000000e+00 : f32
    %mul3A_76 = vector.broadcast %mul3A_75 : f32 to vector<2x128xf32>
    %mul3A_77 = arith.mulf %get3A_7, %mul3A_76 : vector<2x128xf32>
    %mul3A_78 = arith.constant 1.000010e-05 : f32
    %mul3A_79 = vector.broadcast %mul3A_78 : f32 to vector<2x128xf32>
    %mul3A_80 = arith.mulf %mul3A_65, %mul3A_79 : vector<2x128xf32>
    %add3A_81 = arith.addf %mul3A_77, %mul3A_80 : vector<2x128xf32>
    %div3A_82 = arith.divf %add3A_81, %max3A_71 : vector<2x128xf32>
    %mul3A_83 = arith.constant 1.000000e+00 : f32
    %mul3A_84 = vector.broadcast %mul3A_83 : f32 to vector<2x128xf32>
    %mul3A_85 = arith.mulf %get3A_7, %mul3A_84 : vector<2x128xf32>
    %mul3A_86 = arith.constant 0.000000e+00 : f32
    %mul3A_87 = vector.broadcast %mul3A_86 : f32 to vector<2x128xf32>
    %mul3A_88 = arith.mulf %mul3A_65, %mul3A_87 : vector<2x128xf32>
    %add3A_89 = arith.addf %mul3A_85, %mul3A_88 : vector<2x128xf32>
    %div3A_90 = arith.divf %add3A_89, %max3A_71 : vector<2x128xf32>
    %eq3A = arith.constant 99999 : i32
    %eq3A_91 = vector.broadcast %eq3A : i32 to vector<2x128xi32>
    %eq3A_92 = arith.cmpi eq, %get3A_4, %eq3A_91 : vector<2x128xi32>
    %mul3A_93 = arith.constant 1.000000e+00 : f32
    %mul3A_94 = vector.broadcast %mul3A_93 : f32 to vector<2x128xf32>
    %mul3A_95 = arith.mulf %mul3A_94, %div3A : vector<2x128xf32>
    %add3A_96 = arith.addf %mul3A_95, %div3A_90 : vector<2x128xf32>
    %mul3A_97 = arith.constant 1.000000e+00 : f32
    %mul3A_98 = vector.broadcast %mul3A_97 : f32 to vector<2x128xf32>
    %mul3A_99 = arith.mulf %mul3A_98, %div3A : vector<2x128xf32>
    %add3A_100 = arith.addf %mul3A_99, %div3A_82 : vector<2x128xf32>
    %select_n3A = arith.select %eq3A_92, %add3A_96, %add3A_100 : vector<2x128xi1>, vector<2x128xf32>
    %mul3A_101 = arith.constant 0.000000e+00 : f32
    %mul3A_102 = vector.broadcast %mul3A_101 : f32 to vector<2x128xf32>
    %mul3A_103 = arith.mulf %mul3A_102, %div3A : vector<2x128xf32>
    %add3A_104 = arith.addf %mul3A_103, %div3A_90 : vector<2x128xf32>
    %select_n3A_105 = arith.select %eq3A_92, %select_n3A, %add3A_104 : vector<2x128xi1>, vector<2x128xf32>
    %add3A_106 = arith.constant 9.99999996E-13 : f32
    %add3A_107 = vector.broadcast %add3A_106 : f32 to vector<2x128xf32>
    %add3A_108 = arith.addf %select_n3A, %add3A_107 : vector<2x128xf32>
    %log3A_109 = math.log %add3A_108 : vector<2x128xf32>
    %add3A_110 = arith.addf %log3A_109, %neg3A_25 : vector<2x128xf32>
    %add3A_111 = arith.constant 9.99999996E-13 : f32
    %add3A_112 = vector.broadcast %add3A_111 : f32 to vector<2x128xf32>
    %add3A_113 = arith.addf %select_n3A_105, %add3A_112 : vector<2x128xf32>
    %log3A_114 = math.log %add3A_113 : vector<2x128xf32>
    %add3A_115 = arith.addf %log3A_114, %neg3A_53 : vector<2x128xf32>
    %ge3A = arith.cmpf oge, %add3A_110, %add3A_115 : vector<2x128xf32>
    %jit3A = arith.constant 99999 : i32
    %broadcast_in_dim3A = vector.broadcast %jit3A : i32 to vector<2x128xi32>
    %select_n3A_116 = arith.select %ge3A, %get3A_4, %broadcast_in_dim3A : vector<2x128xi1>, vector<2x128xi32>
    %jit3A_117 = arith.constant 99999 : i32
    %broadcast_in_dim3A_118 = vector.broadcast %jit3A_117 : i32 to vector<2x128xi32>
    %select_n3A_119 = arith.select %eq3A_92, %broadcast_in_dim3A_118, %select_n3A_116 : vector<2x128xi1>, vector<2x128xi32>
    %swap3A = arith.constant 0 : index
    %swap3A_120 = arith.constant 0 : index
    %swap3A_121 = vector.load %arg3[%swap3A, %swap3A_120] : memref<2x128xi32, #tpu.memory_space<vmem>>, vector<2x128xi32>
    tpu.vector_store %arg3[%swap3A, %swap3A_120], %select_n3A_119 {strides = array<i32>} : memref<2x128xi32, #tpu.memory_space<vmem>>, vector<2x128xi32>,
    return
  }
}

</mosaic_0001>

<sc_bundles>
// kernel: kernel.4.cloned.1.call-start
scs
__scs_entry_jumppad:
0x0: {  	(pc) =	sbr.rel $0x88, $3  }
0x1: {  	(tag) =	ssettag $0x0;
	lr =	simm.s32 $0x1  }
0x2: {  	[smem:$0x3F9F] =	sst lr;
	_ =	strace $0xD0000000  }
0x3: {  	_ = 	snop  }
0x4: {  	_ = 	snop  }
0x5: {  	_ = 	snop  }
0x6: {  	_ = 	snop  }
0x7: {  	_ = 	snop  }
__scs_overlays_trampoline_lowered:
0x8: {  	[smem:$0x3FAE] =	sst s0  }
0x9: {  	[smem:$0x3FAF] =	sst s1  }
0xa: {  	[smem:$0x3FB0] =	sst s2  }
0xb: {  	[smem:$0x3FB1] =	sst s3  }
0xc: {  	[smem:$0x3FB2] =	sst s4  }
0xd: {  	[smem:$0x3FB3] =	sst s5  }
0xe: {  	[smem:$0x3FB4] =	sst s6  }
0xf: {  	[smem:$0x3FB5] =	sst s7  }
0x10: {  	[smem:$0x3FB6] =	sst s8  }
0x11: {  	[smem:$0x3FB7] =	sst s9;
	s0 =	simm.s32 @!p0 $0x0  }
0x12: {  	s1 =	sld [smem:$0x3F9D];
	s0 =	simm.s32 @p0 $0x1  }
0x13: {  	[smem:$0x3FB8] =	sst s0;
	s0 =	simm.s32 @!p1 $0x0  }
0x14: {  	s2 =	sld [smem:$0x3F9C];
	s0 =	simm.s32 @p1 $0x1  }
0x15: {  	[smem:$0x3FB9] =	sst s0;
	s0 =	simm.s32 @!p2 $0x0  }
0x16: {  	s3 =	sld [smem:$0x3FDB];
	s0 =	simm.s32 @p2 $0x1  }
0x17: {  	s4 =	simm.s32 $0x1BF5;
	[smem:$0x3FBB] =	sst s0  }
0x18: {  	s0 =	sld [smem:$0x3F9E];
	_ =	swait.ge [sflag:s4], $0x0  }
0x19: {  	s7 =	sld [smem:$0x3F9F]  }
0x1a: {  	s8 =	sadd.s32 $0xFFFFE003, lr  }
0x1b: {  	s9 =	sadd.s32 $0xFFFFFEF7, lr;
	s5 =	simm.s32 $0xFFFFFFFF;
	p2 =	slt.u32 s8, $0xFFFFF086  }
0x1c: {  	p1 =	slt.u32 s9, $0xF7A;
	s5 =	simm.s32 @!p2 $0x0  }
0x1d: {  	s5 =	simm.s32 @p1 $0x1;
	p0 =	seq.s32 s7, s2  }
0x1e: {  	s7 =	smul.u32 @!p0 $0xF7A, s2;
	p2 =	seq.s32 @!p0 s5, $0x0  }
0x1f: {  	s9 =	smul.u32 $0xF7A, s1;
	s8 =	simm.s32 @!p0 $0x1BF5;
	p2 =	por !p2, p0  }
0x20: {  	[sflag:s8] =	ssyncset.s32 @!p0 $0xFFFFF086;
	s6 =	sadd.s32 @!p0 s3, s7;
	s7 =	simm.s32 @!p0 $0x108  }
0x21: {  	s3 =	sadd.s32 s3, s9;
	s6 =	sadd.s32 @!p0 $0x88, s6;
	s7 =	simm.s32 @p2 $0x1082  }
0x22: {  	[simem:s7], [sflag:s8] =	dma.local @!p0 [hbm:s6], $0xF7A  }
0x23: {  	s9 =	sor.u32 $0xD0000000, s2;
	s6 =	simm.s32 $0x108;
	_ =	swait.ge @!p0 [sflag:s8], $0x0  }
0x24: {  	s3 =	sadd.s32 $0x88, s3;
	s6 =	simm.s32 @!p1 $0x1082;
	[sflag:s4] =	ssyncset.s32 $0xFFFFF086  }
0x25: {  	[simem:s6], [sflag:s4] =	dma.local [hbm:s3], $0xF7A  }
0x26: {  	[smem:$0x3F9F] =	sst s1;
	(tag) =	ssettag s2;
	_ =	strace s9  }
0x27: {  	s1 =	sld [smem:$0x3FAF]  }
0x28: {  	s2 =	sld [smem:$0x3FB0]  }
0x29: {  	s4 =	sld [smem:$0x3FB2]  }
0x2a: {  	p0 =	seq.s32 s5, $0x0;
	s5 =	sld [smem:$0x3FB3]  }
0x2b: {  	s6 =	sld [smem:$0x3FB4]  }
0x2c: {  	s7 =	sld [smem:$0x3FB5]  }
0x2d: {  	s3 =	simm.s32 $0x108;
	s8 =	sld [smem:$0x3FB6]  }
0x2e: {  	s3 =	simm.s32 @!p0 $0x1082;
	s9 =	sld [smem:$0x3FB7]  }
0x2f: {  	lr =	sadd.s32 s0, s3;
	s0 =	sld [smem:$0x3FAE]  }
0x30: {  	s3 =	sld [smem:$0x3FB1]  }
0x31: {  	[smem:$0x3FBA] =	sst s10  }
0x32: {  	s10 =	sld [smem:$0x3FB8];
	_ =	sdelay $0x3  }
0x33: {  	p0 =	seq.s32 s10, $0x1;
	s10 =	sld [smem:$0x3FBA];
	_ =	sdelay $0x3  }
0x34: {  	[smem:$0x3FBA] =	sst s10  }
0x35: {  	s10 =	sld [smem:$0x3FB9];
	_ =	sdelay $0x3  }
0x36: {  	p1 =	seq.s32 s10, $0x1;
	s10 =	sld [smem:$0x3FBA];
	_ =	sdelay $0x3  }
0x37: {  	[smem:$0x3FBA] =	sst s10  }
0x38: {  	s10 =	sld [smem:$0x3FBB]  }
0x39: {  	_ = 	snop;
	(pc) =	sbr.ind lr, $3  }
0x3a: {  	_ = 	snop  }
0x3b: {  	_ = 	snop  }
0x3c: {  	p2 =	seq.s32 s10, $0x1;
	s10 =	sld [smem:$0x3FBA]  }
0x3d: {  	_ =	shalt  }
0x3e: {  	_ =	shalt  }
0x3f: {  	_ =	shalt  }
0x40: {  	_ =	shalt  }
0x41: {  	_ =	shalt  }
0x42: {  	_ =	shalt  }
0x43: {  	_ =	shalt  }
0x44: {  	_ =	shalt  }
0x45: {  	_ =	shalt  }
0x46: {  	_ =	shalt  }
0x47: {  	_ =	shalt  }
0x48: {  	_ =	shalt  }
0x49: {  	_ =	shalt  }
0x4a: {  	_ =	shalt  }
0x4b: {  	_ =	shalt  }
0x4c: {  	_ =	shalt  }
0x4d: {  	_ =	shalt  }
0x4e: {  	_ =	shalt  }
0x4f: {  	_ =	shalt  }
0x50: {  	_ =	shalt  }
0x51: {  	_ =	shalt  }
0x52: {  	_ =	shalt  }
0x53: {  	_ =	shalt  }
0x54: {  	_ =	shalt  }
0x55: {  	_ =	shalt  }
0x56: {  	_ =	shalt  }
0x57: {  	_ =	shalt  }
0x58: {  	_ =	shalt  }
0x59: {  	_ =	shalt  }
0x5a: {  	_ =	shalt  }
0x5b: {  	_ =	shalt  }
0x5c: {  	_ =	shalt  }
0x5d: {  	_ =	shalt  }
0x5e: {  	_ =	shalt  }
0x5f: {  	_ =	shalt  }
0x60: {  	_ =	shalt  }
0x61: {  	_ =	shalt  }
0x62: {  	_ =	shalt  }
0x63: {  	_ =	shalt  }
0x64: {  	_ =	shalt  }
0x65: {  	_ =	shalt  }
0x66: {  	_ =	shalt  }
0x67: {  	_ =	shalt  }
0x68: {  	_ =	shalt  }
0x69: {  	_ =	shalt  }
0x6a: {  	_ =	shalt  }
0x6b: {  	_ =	shalt  }
0x6c: {  	_ =	shalt  }
0x6d: {  	_ =	shalt  }
0x6e: {  	_ =	shalt  }
0x6f: {  	_ =	shalt  }
0x70: {  	_ =	shalt  }
0x71: {  	_ =	shalt  }
0x72: {  	_ =	shalt  }
0x73: {  	_ =	shalt  }
0x74: {  	_ =	shalt  }
0x75: {  	_ =	shalt  }
0x76: {  	_ =	shalt  }
0x77: {  	_ =	shalt  }
0x78: {  	_ =	shalt  }
0x79: {  	_ =	shalt  }
0x7a: {  	_ =	shalt  }
0x7b: {  	_ =	shalt  }
0x7c: {  	_ =	shalt  }
0x7d: {  	_ =	shalt  }
0x7e: {  	_ =	shalt  }
0x7f: {  	_ =	shalt  }
0x80: {  	_ =	shalt  }
0x81: {  	_ =	shalt  }
0x82: {  	_ =	shalt  }
0x83: {  	_ =	shalt  }
0x84: {  	_ =	shalt  }
0x85: {  	_ =	shalt  }
0x86: {  	_ =	shalt  }
0x87: {  	_ =	shalt  }
.Lfunc_end0:
.L_simem_size_0:
called_computation_lowered:
.L_overlay_start_0:
0x88: {  	s2 =	sld [smem:$0x3FD9]  }
0x89: {  	s3 =	sld [smem:$0x3FFE];
	_ =	sdelay $0x1  }
0x8a: {  	s1 =	srdreg.scid  }
0x8b: {  	s0 =	sand.u32 $0x1, s1  }
0x8c: {  	s17 =	sshll.u32 s0, $0xA;
	s2 =	sadd.s32 s3, s2  }
0x8d: {  	s2 =	sadd.s32 s2, s17  }
0x8e: {  	[smem:$0x3FC6] =	sst s2  }
0x8f: {  	_ = 	snop  }
0x90: {  	s2 =	sld [smem:$0x3FD0];
	(tm) =	ssettm $0x1  }
0x91: {  	s18 =	sld [smem:$0x3FFB];
	_ =	sdelay $0x3  }
0x92: {  	_ =	strace s18  }
0x93: {  	s3 =	sld [smem:$0x3FFC];
	_ =	sdelay $0x3  }
0x94: {  	_ =	strace s3  }
0x95: {  	s3 =	sld [smem:$0x3FFD];
	_ =	sdelay $0x3  }
0x96: {  	_ =	strace s3  }
0x97: {  	_ =	strace $0x8FFFFFFF  }
0x98: {  	s19 =	sld [smem:$0x3FDB];
	_ =	sdelay $0x1  }
0x99: {  	s4 =	simm.s32 $_scs_section_size  }
0x9a: {  	s5 =	simm.s32 $_size__tile_overlayer_lowered;
	s6 =	simm.s32 $_tile_overlayer_lowered  }
0x9b: {  	s22 =	simm.s32 $0x1BFF;
	s21 =	sshll.u32 s6, $0x1;
	s3 =	sadd.s32 s4, s19  }
0x9c: {  	s7 =	simm.s32 $0x0;
	s20 =	sshll.u32 s5, $0x1;
	s5 =	sadd.s32 s21, s3  }
0x9d: {  	[timem:s7], [sflag:s22] =	dma.local [hbm:s5], s20  }
0x9e: {  	_ =	swait.ge [sflag:s22], s20  }
0x9f: {  	s4 =	ssub.s32 $0x0, s20;
	[sflag:s22] =	ssyncset.done $0x0  }
0xa0: {  	[sflag:s22] =	ssyncadd.s32 s4;
	_ =	sdelay $0x1  }
0xa1: {  	s23 =	simm.s32 $0x1B8B  }
0xa2: {  	_ =	swait.ge [sflag:s23], $0x1  }
0xa3: {  	[sflag:s23] =	ssyncset.done $0x0  }
0xa4: {  	s25 =	simm.s32 $0x1B8E;
	s24 =	sld [smem:$0x3FFE];
	[sflag:s23] =	ssyncadd.s32 $0xFFFFFFFF  }
0xa5: {  	s26 =	simm.s32 $execute0_lowered;
	[smem:$0x3FD2] =	sst s25  }
0xa6: {  	s5 =	sshll.u32 s26, $0x1;
	_ =	strace $0x80000046;
	[dreg:$0x1] =	wrdreg $0xFFFFFFFF  }
0xa7: {  	s28 =	simm.s32 $_size_execute0_lowered;
	s3 =	sadd.s32 s3, s5;
	[dreg:$0x0] =	wrdreg $0x0  }
0xa8: {  	s5 =	sshll.u32 s28, $0x1;
	[dreg:$0x2] =	wrdreg s3  }
0xa9: {  	[dreg:$0x3] =	wrdreg s5  }
0xaa: {  	[dreg:$0x4] =	wrdreg $0xC0  }
0xab: {  	_ =	task [dreg:s7], $0x5FFFF  }
0xac: {  	[dreg:$0x1] =	wrdreg $0xFFFFFFFF  }
0xad: {  	[dreg:$0x0] =	wrdreg $0x60  }
0xae: {  	[dreg:$0x2] =	wrdreg s2  }
0xaf: {  	[dreg:$0x3] =	wrdreg s24  }
0xb0: {  	[dreg:$0x4] =	wrdreg $0x9  }
0xb1: {  	_ =	task.clear_ibuf [dreg:s7], $0x5FFFF;
	_ =	strace $0x90000046  }
0xb2: {  	s29 =	simm.s32 $0x9;
	_ =	strace $0x80000048  }
0xb3: {  	_ =	swait.ge [sflag:s29], $0x1  }
0xb4: {  	[sflag:s29] =	ssyncadd.s32 $0xFFFFFFFF  }
0xb5: {  	_ =	strace $0x90000048  }
0xb6: {  	_ =	sfence  }
0xb7: {  	s30 =	sld [smem:$0x0];
	_ =	sdelay $0x2  }
0xb8: {  	s31 =	sshll.u32 s1, $0xD;
	s1 =	sshrl.u32 s1, $0x2  }
0xb9: {  	s3 =	sand.u32 $0x4000, s31;
	s1 =	sadd.s32 s1, s30  }
0xba: {  	s0 =	sor.u32 s3, s0;
	s1 =	sshll.u32 s1, $0x11  }
0xbb: {  	s0 =	sor.u32 s1, s0  }
0xbc: {  	s0 =	sadd.s32 $0x8F2B, s0  }
0xbd: {  	[sflag:s0] =	ssyncadd.remote.s32 $0x1  }
0xbe: {  	_ =	sfence.sel $0xFFFF  }
0xbf: {  	[dreg:$0x0] =	wrdreg $0xFFFFFFFF;
	(pc) =	sbr.abs _section_cstart, $3  }
0xc0: {  	[dreg:$0x1] =	wrdreg $0xFFFFFFFF  }
0xc1: {  	_ =	task.clear_ibuf [dreg:s7], $0x2FFFF;
	_ =	strace $0x9FFFFFFF  }
0xc2: {  	(tm) =	ssettm $0x7FFFFFFF  }
0xc3: {  	_ =	shalt  }
tec
execute0_lowered:
.L_overlay_start_1:
0x0: {  	(tag) =	ssettag $0x1  }
0x1: {  	s3 =	rddreg [dreg:$0x0]  }
0x2: {  	s5 =	rddreg [dreg:$0x1];
	s2 =	srdreg.scid  }
0x3: {  	s0 =	rddreg [dreg:$0x2];
	s1 =	stileid.u32;
	s6 =	sand.u32 $0x1, s2  }
0x4: {  	s2 =	simm.s32 $0x0;
	s4 =	sshll.u32 s1, $0x2;
	s7 =	sshll.u32 s6, $0x1  }
0x5: {  	[smem:$0x7FF] =	sst s2;
	s7 =	sor.u32 s7, s4  }
0x6: {  	_ =	strace $0x80000047;
	s4 =	sadd.s32 s3, s7;
	s3 =	simm.s32 $0x1  }
0x7: {  	[tilespmem:s2], [sflag:$0x1] =	stream.linear.gather [hbm4b:s4+s2], $0x10, $0x38;
	[tilespmem:$0x100] =	vst v63  }
0x8: {  	_ =	swait.ge [sflag:s3], $0x10  }
0x9: {  	[sflag:s3] =	ssyncset.done $0x0  }
0xa: {  	[sflag:s3] =	ssyncadd.s32 $0xFFFFFFF0  }
0xb: {  	v0 =	vld [tilespmem:$0x0];
	_ =	sdelay $0x4  }
0xc: {  	v0 =	vadd.s32 $0x2A, v0  }
0xd: {  	v1 =	vshrl.u32 v0, $0x13;
	v2 =	vshll.u32 v0, $0xD  }
0xe: {  	v1 =	vor.u32 v1, v2  }
0xf: {  	v1 =	vxor.u32 v0, v1  }
0x10: {  	v14 =	vshrl.u32 v1, $0x11;
	v3 =	vshll.u32 v1, $0xF  }
0x11: {  	v0 =	vadd.s32 v0, v1;
	v15 =	vor.u32 v14, v3  }
0x12: {  	v1 =	vxor.u32 v15, v0  }
0x13: {  	v16 =	vshrl.u32 v1, $0x6;
	v17 =	vshll.u32 v1, $0x1A  }
0x14: {  	v0 =	vadd.s32 v0, v1;
	v18 =	vor.u32 v16, v17  }
0x15: {  	v1 =	vxor.u32 v18, v0  }
0x16: {  	v19 =	vshrl.u32 v1, $0x1A;
	v20 =	vshll.u32 v1, $0x6  }
0x17: {  	v0 =	vadd.s32 v0, v1;
	v21 =	vor.u32 v19, v20  }
0x18: {  	v1 =	vxor.u32 v21, v0  }
0x19: {  	v1 =	vadd.s32 $0x1BD11BF1, v1  }
0x1a: {  	v0 =	vadd.s32 v1, v0;
	v22 =	vshrl.u32 v1, $0xF;
	v1 =	vshll.u32 v1, $0x11  }
0x1b: {  	v0 =	vadd.s32 $0x2A, v0;
	v1 =	vor.u32 v22, v1  }
0x1c: {  	v1 =	vxor.u32 v1, v0  }
0x1d: {  	v23 =	vshrl.u32 v1, $0x3;
	v24 =	vshll.u32 v1, $0x1D  }
0x1e: {  	v0 =	vadd.s32 v0, v1;
	v25 =	vor.u32 v23, v24  }
0x1f: {  	v1 =	vxor.u32 v25, v0  }
0x20: {  	v26 =	vshrl.u32 v1, $0x10;
	v27 =	vshll.u32 v1, $0x10  }
0x21: {  	v0 =	vadd.s32 v0, v1;
	v28 =	vor.u32 v26, v27  }
0x22: {  	v1 =	vxor.u32 v28, v0  }
0x23: {  	v29 =	vshrl.u32 v1, $0x8;
	v30 =	vshll.u32 v1, $0x18  }
0x24: {  	v0 =	vadd.s32 v0, v1;
	v31 =	vor.u32 v29, v30  }
0x25: {  	v1 =	vxor.u32 v31, v0  }
0x26: {  	v1 =	vadd.s32 $0x2, v1  }
0x27: {  	v0 =	vadd.s32 v1, v0;
	v32 =	vshrl.u32 v1, $0x13;
	v1 =	vshll.u32 v1, $0xD  }
0x28: {  	v0 =	vadd.s32 $0x1BD11BF0, v0;
	v1 =	vor.u32 v32, v1  }
0x29: {  	v1 =	vxor.u32 v1, v0  }
0x2a: {  	v33 =	vshrl.u32 v1, $0x11;
	v34 =	vshll.u32 v1, $0xF  }
0x2b: {  	v0 =	vadd.s32 v0, v1;
	v35 =	vor.u32 v33, v34  }
0x2c: {  	v1 =	vxor.u32 v35, v0  }
0x2d: {  	v36 =	vshrl.u32 v1, $0x6;
	v37 =	vshll.u32 v1, $0x1A  }
0x2e: {  	v0 =	vadd.s32 v0, v1;
	v38 =	vor.u32 v36, v37  }
0x2f: {  	v1 =	vxor.u32 v38, v0  }
0x30: {  	v39 =	vshrl.u32 v1, $0x1A;
	v40 =	vshll.u32 v1, $0x6  }
0x31: {  	v0 =	vadd.s32 v0, v1;
	v41 =	vor.u32 v39, v40  }
0x32: {  	v1 =	vxor.u32 v41, v0  }
0x33: {  	v1 =	vadd.s32 $0x2D, v1  }
0x34: {  	v42 =	vshrl.u32 v1, $0xF;
	v43 =	vshll.u32 v1, $0x11  }
0x35: {  	v0 =	vadd.s32 v0, v1;
	v44 =	vor.u32 v42, v43  }
0x36: {  	v1 =	vxor.u32 v44, v0  }
0x37: {  	v45 =	vshrl.u32 v1, $0x3;
	v46 =	vshll.u32 v1, $0x1D  }
0x38: {  	v0 =	vadd.s32 v0, v1;
	v47 =	vor.u32 v45, v46  }
0x39: {  	v1 =	vxor.u32 v47, v0  }
0x3a: {  	v48 =	vshrl.u32 v1, $0x10;
	v49 =	vshll.u32 v1, $0x10  }
0x3b: {  	v0 =	vadd.s32 v0, v1;
	v50 =	vor.u32 v48, v49  }
0x3c: {  	v1 =	vxor.u32 v50, v0  }
0x3d: {  	v51 =	vshrl.u32 v1, $0x8;
	v52 =	vshll.u32 v1, $0x18  }
0x3e: {  	v0 =	vadd.s32 v0, v1;
	v53 =	vor.u32 v51, v52  }
0x3f: {  	v1 =	vxor.u32 v53, v0  }
0x40: {  	v1 =	vadd.s32 $0x1BD11BF4, v1  }
0x41: {  	v0 =	vadd.s32 v1, v0;
	v54 =	vshrl.u32 v1, $0x13;
	v1 =	vshll.u32 v1, $0xD  }
0x42: {  	v0 =	vadd.s32 $0x2A, v0;
	v1 =	vor.u32 v54, v1  }
0x43: {  	v1 =	vxor.u32 v1, v0  }
0x44: {  	v55 =	vshrl.u32 v1, $0x11;
	v56 =	vshll.u32 v1, $0xF  }
0x45: {  	v0 =	vadd.s32 v0, v1;
	v57 =	vor.u32 v55, v56  }
0x46: {  	v1 =	vxor.u32 v57, v0  }
0x47: {  	v58 =	vshrl.u32 v1, $0x6;
	v59 =	vshll.u32 v1, $0x1A  }
0x48: {  	v0 =	vadd.s32 v0, v1;
	v60 =	vor.u32 v58, v59  }
0x49: {  	s6 =	ssub.s32 $0x2, s6;
	v1 =	vxor.u32 v60, v0  }
0x4a: {  	s8 =	sshrl.u32 s6, $0x1;
	v61 =	vshrl.u32 v1, $0x1A;
	v62 =	vshll.u32 v1, $0x6  }
0x4b: {  	s6 =	ssub.s32 s6, s8;
	v0 =	vadd.s32 v0, v1;
	v63 =	vor.u32 v61, v62  }
0x4c: {  	s31 =	smax.u32 s6, $0x1;
	v1 =	vxor.u32 v63, v0  }
0x4d: {  	p0 =	sne.s32 s31, $0x1;
	v0 =	vadd.s32 $0x1BD11BF0, v0;
	v1 =	vadd.s32 $0x5, v1  }
.Ltmp0:
0x4e: {  	s5 =	sadd.s32 s7, s5;
	v0 =	vxor.u32 v0, v1;
	(pc) =	sbr.rel @!p0 .LBB2_2-.Ltmp0, $4  }
0x4f: {  	s5 =	sadd.s32 $0xC00, s5;
	s6 =	simm.s32 $0x80;
	[tilespmem:$0x80] =	vst v0  }
0x50: {  	[hbm4b:s5+s2] =	stream.linear.scatter [tilespmem:s6], [sflag:$0x1], $0x10, $0x38;
	[tilespmem:$0x100] =	vst v63  }
0x51: {  	_ =	swait.ge [sflag:s3], $0x10  }
0x52: {  	s7 =	sadd.s32 $0xFFFFFFFF, s31;
	[sflag:s3] =	ssyncset.done $0x0  }
.LBB2_1:
0x53: {  	p0 =	sne.s32 s7, $0x1;
	s7 =	sadd.s32 $0xFFFFFFFF, s7;
	[sflag:s3] =	ssyncadd.s32 $0xFFFFFFF0  }
0x54: {  	[tilespmem:s2], [sflag:$0x1] =	stream.linear.gather [hbm4b:s4+s2], $0x10, $0x38;
	[tilespmem:$0x100] =	vst v63  }
0x55: {  	_ =	swait.ge [sflag:s3], $0x10  }
0x56: {  	[sflag:s3] =	ssyncset.done $0x0  }
0x57: {  	[sflag:s3] =	ssyncadd.s32 $0xFFFFFFF0  }
0x58: {  	v0 =	vld [tilespmem:$0x0];
	_ =	sdelay $0x4  }
0x59: {  	v0 =	vadd.s32 $0x2A, v0  }
0x5a: {  	v1 =	vshrl.u32 v0, $0x13;
	v2 =	vshll.u32 v0, $0xD  }
0x5b: {  	v1 =	vor.u32 v1, v2  }
0x5c: {  	v1 =	vxor.u32 v0, v1  }
0x5d: {  	v0 =	vadd.s32 v0, v1;
	v2 =	vshrl.u32 v1, $0x11;
	v1 =	vshll.u32 v1, $0xF  }
0x5e: {  	v1 =	vor.u32 v2, v1  }
0x5f: {  	v1 =	vxor.u32 v1, v0  }
0x60: {  	v0 =	vadd.s32 v0, v1;
	v2 =	vshrl.u32 v1, $0x6;
	v1 =	vshll.u32 v1, $0x1A  }
0x61: {  	v1 =	vor.u32 v2, v1  }
0x62: {  	v1 =	vxor.u32 v1, v0  }
0x63: {  	v2 =	vshrl.u32 v1, $0x1A;
	v3 =	vshll.u32 v1, $0x6  }
0x64: {  	v0 =	vadd.s32 v0, v1;
	v1 =	vor.u32 v2, v3  }
0x65: {  	v1 =	vxor.u32 v1, v0  }
0x66: {  	v1 =	vadd.s32 $0x1BD11BF1, v1  }
0x67: {  	v0 =	vadd.s32 v1, v0;
	v2 =	vshrl.u32 v1, $0xF;
	v1 =	vshll.u32 v1, $0x11  }
0x68: {  	v0 =	vadd.s32 $0x2A, v0;
	v1 =	vor.u32 v2, v1  }
0x69: {  	v1 =	vxor.u32 v1, v0  }
0x6a: {  	v0 =	vadd.s32 v0, v1;
	v2 =	vshrl.u32 v1, $0x3;
	v1 =	vshll.u32 v1, $0x1D  }
0x6b: {  	v1 =	vor.u32 v2, v1  }
0x6c: {  	v1 =	vxor.u32 v1, v0  }
0x6d: {  	v0 =	vadd.s32 v0, v1;
	v2 =	vshrl.u32 v1, $0x10;
	v1 =	vshll.u32 v1, $0x10  }
0x6e: {  	v1 =	vor.u32 v2, v1  }
0x6f: {  	v1 =	vxor.u32 v1, v0  }
0x70: {  	v2 =	vshrl.u32 v1, $0x8;
	v3 =	vshll.u32 v1, $0x18  }
0x71: {  	v0 =	vadd.s32 v0, v1;
	v1 =	vor.u32 v2, v3  }
0x72: {  	v1 =	vxor.u32 v1, v0  }
0x73: {  	v1 =	vadd.s32 $0x2, v1  }
0x74: {  	v0 =	vadd.s32 v1, v0;
	v2 =	vshrl.u32 v1, $0x13;
	v1 =	vshll.u32 v1, $0xD  }
0x75: {  	v0 =	vadd.s32 $0x1BD11BF0, v0;
	v1 =	vor.u32 v2, v1  }
0x76: {  	v1 =	vxor.u32 v1, v0  }
0x77: {  	v0 =	vadd.s32 v0, v1;
	v2 =	vshrl.u32 v1, $0x11;
	v1 =	vshll.u32 v1, $0xF  }
0x78: {  	v1 =	vor.u32 v2, v1  }
0x79: {  	v1 =	vxor.u32 v1, v0  }
0x7a: {  	v0 =	vadd.s32 v0, v1;
	v2 =	vshrl.u32 v1, $0x6;
	v1 =	vshll.u32 v1, $0x1A  }
0x7b: {  	v1 =	vor.u32 v2, v1  }
0x7c: {  	v1 =	vxor.u32 v1, v0  }
0x7d: {  	v0 =	vadd.s32 v0, v1;
	v2 =	vshrl.u32 v1, $0x1A;
	v1 =	vshll.u32 v1, $0x6  }
0x7e: {  	v1 =	vor.u32 v2, v1  }
0x7f: {  	v1 =	vxor.u32 v1, v0  }
0x80: {  	v1 =	vadd.s32 $0x2D, v1  }
0x81: {  	v0 =	vadd.s32 v0, v1;
	v2 =	vshrl.u32 v1, $0xF;
	v1 =	vshll.u32 v1, $0x11  }
0x82: {  	v1 =	vor.u32 v2, v1  }
0x83: {  	v1 =	vxor.u32 v1, v0  }
0x84: {  	v0 =	vadd.s32 v0, v1;
	v2 =	vshrl.u32 v1, $0x3;
	v1 =	vshll.u32 v1, $0x1D  }
0x85: {  	v1 =	vor.u32 v2, v1  }
0x86: {  	v1 =	vxor.u32 v1, v0  }
0x87: {  	v0 =	vadd.s32 v0, v1;
	v2 =	vshrl.u32 v1, $0x10;
	v1 =	vshll.u32 v1, $0x10  }
0x88: {  	v1 =	vor.u32 v2, v1  }
0x89: {  	v1 =	vxor.u32 v1, v0  }
0x8a: {  	v2 =	vshrl.u32 v1, $0x8;
	v3 =	vshll.u32 v1, $0x18  }
0x8b: {  	v0 =	vadd.s32 v0, v1;
	v1 =	vor.u32 v2, v3  }
0x8c: {  	v1 =	vxor.u32 v1, v0  }
0x8d: {  	v1 =	vadd.s32 $0x1BD11BF4, v1  }
0x8e: {  	v0 =	vadd.s32 v1, v0;
	v2 =	vshrl.u32 v1, $0x13;
	v1 =	vshll.u32 v1, $0xD  }
0x8f: {  	v0 =	vadd.s32 $0x2A, v0;
	v1 =	vor.u32 v2, v1  }
0x90: {  	v1 =	vxor.u32 v1, v0  }
0x91: {  	v0 =	vadd.s32 v0, v1;
	v2 =	vshrl.u32 v1, $0x11;
	v1 =	vshll.u32 v1, $0xF  }
0x92: {  	v1 =	vor.u32 v2, v1  }
0x93: {  	v1 =	vxor.u32 v1, v0  }
0x94: {  	v0 =	vadd.s32 v0, v1;
	v2 =	vshrl.u32 v1, $0x6;
	v1 =	vshll.u32 v1, $0x1A  }
0x95: {  	v1 =	vor.u32 v2, v1  }
0x96: {  	v1 =	vxor.u32 v1, v0  }
0x97: {  	v0 =	vadd.s32 v0, v1;
	v2 =	vshrl.u32 v1, $0x1A;
	v1 =	vshll.u32 v1, $0x6  }
0x98: {  	v1 =	vor.u32 v2, v1  }
0x99: {  	v1 =	vxor.u32 v1, v0  }
0x9a: {  	v0 =	vadd.s32 $0x1BD11BF0, v0;
	v1 =	vadd.s32 $0x5, v1  }
.Ltmp1:
0x9b: {  	v0 =	vxor.u32 v0, v1;
	(pc) =	sbr.rel @p0 .LBB2_1-.Ltmp1, $4  }
0x9c: {  	[tilespmem:$0x80] =	vst v0  }
0x9d: {  	[hbm4b:s5+s2] =	stream.linear.scatter [tilespmem:s6], [sflag:$0x1], $0x10, $0x38;
	[tilespmem:$0x100] =	vst v63  }
0x9e: {  	_ =	swait.ge [sflag:s3], $0x10  }
0x9f: {  	[sflag:s3] =	ssyncset.done $0x0  }
.LBB2_2:
0xa0: {  	[sflag:s3] =	ssyncadd.s32 $0xFFFFFFF0  }
0xa1: {  	_ =	sfence.sel $0x180000  }
0xa2: {  	[bflag:$0x0] =	sbarrier.arrive $0xFFFF  }
0xa3: {  	p0 =	sne.s32 s1, $0x0;
	_ =	strace $0x90000047  }
0xa4: {  	s0 =	sadd.s32 @!p0 $0x100000, s0;
	[bflag:$0x2] =	sbarrier.arrive $0xFFFF  }
0xa5: {  	[sflag:s0] =	ssyncadd.tile.s32 @!p0 $0x1;
	_ =	shalt  }
.Lfunc_end2:
_tile_overlayer_lowered:
.L_overlay_start_2:
0xa6: {  	(tag) =	ssettag $0x2  }
0xa7: {  	s0 =	rddreg [dreg:$0x0];
	s2 =	stileid.u32  }
0xa8: {  	s1 =	rddreg [dreg:$0x1];
	p0 =	sne.s32 s2, $0x0  }
0xa9: {  	s3 =	rddreg [dreg:$0x2];
	[bflag:$0x3] =	sbarrier.arrive $0xFFFF;
	s2 =	simm.s32 @!p0 $0x1C01  }
0xaa: {  	[timem:s3], [sflag:s2] =	dma.local @!p0 [hbm:s0], s1  }
0xab: {  	s0 =	simm.s32 @!p0 $0x1  }
0xac: {  	_ =	swait.ge @!p0 [sflag:s0], s1  }
0xad: {  	s1 =	ssub.s32 @!p0 $0x0, s1;
	[sflag:s0] =	ssyncset.done @!p0 $0x0  }
0xae: {  	[sflag:s0] =	ssyncadd.s32 @!p0 s1  }
0xaf: {  	[bflag:$0x3] =	sbarrier.arrive $0xFFFF  }
0xb0: {  	_ =	shalt  }

</sc_bundles>
